<compile_context>
chip_gen: v7x
topology: tpu7x:2x2x1
jax: 0.10.2.dev20260603
libtpu: 0.0.44.dev20260713+nightly
codegen_flags: <defaults>
</compile_context>

<pallas_src>
import functools

import jax
import jax.numpy as jnp
import numpy as np
from jax import lax
from jax.experimental import pallas as pl
from jax.experimental.pallas import tpu as pltpu
from jax.experimental.pallas import tpu_sc as plsc

_N_FIELDS = 26
_VOCAB = 100000
_EMB = 32
_N_CONT = 13
_B = 16384
_H1 = 256
_H2 = 128

_NW = 32
_R = _B * _N_FIELDS
_RPW = _R // _NW
_CH = 512
_NCH = _RPW // _CH
_SCW = 128
_SPC = _CH // _SCW

_QS = 25088
_TROWS = _N_FIELDS * _QS

_NSLOT = 28
_ROWS_OUT = _B * _NSLOT
_BPW = _B // _NW
_XRPW = _BPW * 2
_XHALF = _XRPW // 2

_BM = 2048


_NH = 4
_HQ = _QS // _NH


def _xform_body(t0, t1, t2, t3, o_ref):
    h = pl.program_id(1)
    limit = jnp.where(h == _NH - 1, _VOCAB - 3 * _QS - (_NH - 1) * _HQ, _HQ)
    lane = lax.broadcasted_iota(jnp.int32, (_EMB, _HQ), 1)
    p3 = jnp.where(lane < limit, t3[0], 0.0)
    stacked = jnp.concatenate([t0[0], t1[0], t2[0], p3], 0)
    o_ref[...] = jnp.swapaxes(stacked, 0, 1)


def _xform(tt):
    def spec(q):
        return pl.BlockSpec((1, _EMB, _HQ),
                            lambda f, h, q=q: (f, 0, _NH * q + h))
    return pl.pallas_call(
        _xform_body,
        grid=(_N_FIELDS, _NH),
        in_specs=[spec(0), spec(1), spec(2), spec(3)],
        out_specs=pl.BlockSpec((_HQ, 128), lambda f, h: (_NH * f + h, 0)),
        out_shape=jax.ShapeDtypeStruct((_TROWS, 128), jnp.float32),
    )(tt, tt, tt, tt)


def _gather_body(table_hbm, idx_hbm, sidx_hbm, xidx_hbm, xc_hbm,
                 out_hbm, idx_v, sidx_v, xidx_v, rows32_v, sem):
    wid = lax.axis_index("s") * 2 + lax.axis_index("c")

    pltpu.sync_copy(idx_hbm.at[wid], idx_v)
    pltpu.sync_copy(sidx_hbm.at[wid], sidx_v)
    pltpu.sync_copy(xidx_hbm.at[wid], xidx_v)

    def chunk(c, carry):
        pltpu.async_copy(table_hbm.at[idx_v.at[c]], rows32_v, sem).wait()

        def scat(j, carry2):
            pltpu.async_copy(
                rows32_v.at[pl.ds(j * _SCW, _SCW)],
                out_hbm.at[sidx_v.at[c * _SPC + j]], sem).wait()
            return carry2

        lax.fori_loop(0, _SPC, scat, 0)
        return carry

    lax.fori_loop(0, _NCH, chunk, 0)

    def xhalf(h, carry):
        pltpu.sync_copy(
            xc_hbm.at[pl.ds(wid * _XRPW + h * _XHALF, _XHALF)], rows32_v)

        def xscat(j, carry2):
            pltpu.async_copy(
                rows32_v.at[pl.ds(j * _SCW, _SCW)],
                out_hbm.at[xidx_v.at[h * (_XHALF // _SCW) + j]], sem).wait()
            return carry2

        lax.fori_loop(0, _XHALF // _SCW, xscat, 0)
        return carry

    lax.fori_loop(0, 2, xhalf, 0)


_gather = functools.partial(
    pl.kernel,
    out_type=jax.ShapeDtypeStruct((_ROWS_OUT, _EMB), jnp.float32),
    mesh=plsc.VectorSubcoreMesh(core_axis_name="c", subcore_axis_name="s"),
    compiler_params=pltpu.CompilerParams(use_tc_tiling_on_sc=False,
                                         needs_layout_passes=False),
    scratch_types=[
        pltpu.VMEM((_NCH, _CH), jnp.int32),
        pltpu.VMEM((_NCH * _SPC, _SCW), jnp.int32),
        pltpu.VMEM((_XRPW // _SCW, _SCW), jnp.int32),
        pltpu.VMEM((_CH, _EMB), jnp.float32),
        pltpu.SemaphoreType.DMA,
    ],
)(_gather_body)


_SIDX = np.arange(_R, dtype=np.int32)
_SIDX = (_SIDX // _N_FIELDS) * _NSLOT + _SIDX % _N_FIELDS
_SIDX = _SIDX.reshape(_NW, _NCH * _SPC, _SCW)
_XIDX = np.arange(_B * 2, dtype=np.int32)
_XIDX = (_XIDX // 2) * _NSLOT + _N_FIELDS + _XIDX % 2
_XIDX = _XIDX.reshape(_NW, _XRPW // _SCW, _SCW)


def _mlp_body(e_ref, w1_ref, b1_ref, w2_ref, b2_ref, w3_ref, b3_ref, o_ref):
    h1 = jax.nn.sigmoid(
        jnp.dot(e_ref[...], w1_ref[...], preferred_element_type=jnp.float32)
        + b1_ref[...])
    h2 = jax.nn.sigmoid(
        jnp.dot(h1, w2_ref[...], preferred_element_type=jnp.float32)
        + b2_ref[...])
    o_ref[...] = jax.nn.sigmoid(
        jnp.dot(h2, w3_ref[...], preferred_element_type=jnp.float32)
        + b3_ref[...])


def _mlp(e, w1, b1, w2, b2, w3, b3):
    n_in = _NSLOT * _EMB
    grid = _B // _BM
    return pl.pallas_call(
        _mlp_body,
        grid=(grid,),
        in_specs=[
            pl.BlockSpec((_BM, n_in), lambda i: (i, 0)),
            pl.BlockSpec((n_in, _H1), lambda i: (0, 0)),
            pl.BlockSpec((1, _H1), lambda i: (0, 0)),
            pl.BlockSpec((_H1, _H2), lambda i: (0, 0)),
            pl.BlockSpec((1, _H2), lambda i: (0, 0)),
            pl.BlockSpec((_H2, 1), lambda i: (0, 0)),
            pl.BlockSpec((1, 1), lambda i: (0, 0)),
        ],
        out_specs=pl.BlockSpec((_BM, 1), lambda i: (i, 0)),
        out_shape=jax.ShapeDtypeStruct((_B, 1), jnp.float32),
    )(e, w1, b1, w2, b2, w3, b3)


def kernel(x_cat, x_cont, tables, W1, b1, W2, b2, W3, b3):
    xi = x_cat.astype(jnp.int32)
    q3m = xi // _QS
    offs = (jnp.arange(_N_FIELDS, dtype=jnp.int32) * _QS)[None, :]
    idx32 = ((offs + xi - q3m * _QS) * 4 + q3m).reshape(_NW, _NCH, _CH)
    table32 = _xform(jnp.swapaxes(tables, 1, 2)).reshape(_TROWS * 4, _EMB)
    xc64 = jnp.pad(x_cont, ((0, 0), (0, 2 * _EMB - _N_CONT))).reshape(
        _B * 2, _EMB)

    e = _gather(table32, idx32, jnp.asarray(_SIDX), jnp.asarray(_XIDX),
                xc64).reshape(_B, _NSLOT * _EMB)

    w1p = jnp.concatenate(
        [W1, jnp.zeros((_NSLOT * _EMB - W1.shape[0], _H1), jnp.float32)], 0)
    return _mlp(e, w1p, b1[None, :], W2, b2[None, :], W3, b3[None, :])

# --- scband reference (transcript-rebuilt; emitter-appended) ---
"""Pipeline reference for scband-tabular-model-sig-8083128451431 (READ-ONLY COPY).

The authoritative reference and input builder live on the scoring server;
editing this copy changes nothing except your own understanding.
"""

import jax, jax.numpy as jnp
import numpy as np

N_FIELDS = 26
VOCAB = 100000
EMB = 32
N_CONT = 13
B = 16384
H1 = 256
H2 = 128
OUT = 1
N_IN = N_FIELDS * EMB + N_CONT


def setup_inputs(seed: int = 0) -> dict:
    key = jax.random.key(seed)
    ks = jax.random.split(key, 10)
    x_cat = jax.random.randint(ks[0], (B, N_FIELDS), 0, VOCAB)
    x_cont = jax.random.normal(ks[1], (B, N_CONT), dtype=jnp.float32)
    # 26 embedding tables of identical shape, stacked: [26, 100000, 32]
    tables = jax.random.normal(ks[2], (N_FIELDS, VOCAB, EMB), dtype=jnp.float32) * 0.05
    W1 = jax.random.normal(ks[3], (N_IN, H1), dtype=jnp.float32) * (1.0 / np.sqrt(N_IN))
    b1 = jnp.zeros((H1,), dtype=jnp.float32)
    W2 = jax.random.normal(ks[4], (H1, H2), dtype=jnp.float32) * (1.0 / np.sqrt(H1))
    b2 = jnp.zeros((H2,), dtype=jnp.float32)
    W3 = jax.random.normal(ks[5], (H2, OUT), dtype=jnp.float32) * (1.0 / np.sqrt(H2))
    b3 = jnp.zeros((OUT,), dtype=jnp.float32)
    return {"x_cat": x_cat, "x_cont": x_cont, "tables": tables,
            "W1": W1, "b1": b1, "W2": W2, "b2": b2, "W3": W3, "b3": b3}


def reference(x_cat, x_cont, tables, W1, b1, W2, b2, W3, b3):
    # Per-field embedding lookup: tables[f][x_cat[:, f]] for each field f, then concat.
    # Vectorized via advanced indexing: result [B, N_FIELDS, EMB]
    field_idx = jnp.arange(N_FIELDS)[None, :]
    embs = tables[field_idx, x_cat]  # gather -> [B, 26, 32]
    x = embs.reshape(x_cat.shape[0], N_FIELDS * EMB)
    # emb_drop: eval mode -> identity
    x = jnp.concatenate([x, x_cont], axis=1)
    x = jax.nn.sigmoid(x @ W1 + b1)
    # dropout eval -> identity
    x = jax.nn.sigmoid(x @ W2 + b2)
    # dropout eval -> identity
    x = jax.nn.sigmoid(x @ W3 + b3)
    return x

if __name__ == "__main__":
    import jax
    _d = setup_inputs()
    print(jax.jit(kernel)(*tuple(_d.values())))

</pallas_src>

<mosaic_0001>
#map = affine_map<(d0, d1) -> (0, 0)>
#map1 = affine_map<(d0, d1) -> (0, 0, 0)>
module attributes {stable_mosaic.version = 14 : i64} {
  func.func @_gather_body(%arg0: i32, %arg1: i32, %arg2: memref<2609152x32xf32, #tpu.memory_space<hbm>>, %arg3: memref<32x26x512xi32, #tpu.memory_space<hbm>>, %arg4: memref<32x104x128xi32, #tpu.memory_space<hbm>>, %arg5: memref<32x8x128xi32, #tpu.memory_space<hbm>>, %arg6: memref<32768x32xf32, #tpu.memory_space<hbm>>, %arg7: memref<458752x32xf32, #tpu.memory_space<hbm>>, %arg8: memref<26x512xi32, #tpu.memory_space<vmem>>, %arg9: memref<104x128xi32, #tpu.memory_space<vmem>>, %arg10: memref<8x128xi32, #tpu.memory_space<vmem>>, %arg11: memref<512x32xf32, #tpu.memory_space<vmem>>, %arg12: memref<!tpu.dma_semaphore, #tpu.memory_space<semaphore_mem>>) attributes {dimension_semantics = [#tpu.dimension_semantics<core_parallel>, #tpu.dimension_semantics<subcore_parallel>], iteration_bounds = array<i64: 2, 16>, scalar_prefetch = 0 : i64, scratch_operands = 5 : i64, tpu.core_type = #tpu.core_type<sc_vector_subcore>, window_params = [{transform_indices = #map}, {transform_indices = #map1}, {transform_indices = #map1}, {transform_indices = #map1}, {transform_indices = #map}, {transform_indices = #map}]} {
    %mul3A = arith.constant 2 : i32
    %mul3A_0 = arith.muli %arg1, %mul3A : i32
    %add3A = arith.addi %mul3A_0, %arg0 : i32
    "tpu.region"() ({
      %run_scoped3A = tpu.sem_alloc : memref<!tpu.dma_semaphore, #tpu.memory_space<semaphore_mem>>
      %dma_start3A = arith.constant 0 : i32
      %dma_start3A_12 = arith.constant 0 : i32
      %dma_start3A_13 = tpu.memref_slice %arg3[%add3A, %dma_start3A, %dma_start3A_12] : memref<32x26x512xi32, #tpu.memory_space<hbm>> -> memref<1x26x512xi32, #tpu.memory_space<hbm>>
      %dma_start3A_14 = tpu.memref_squeeze %dma_start3A_13 : memref<1x26x512xi32, #tpu.memory_space<hbm>> -> memref<26x512xi32, #tpu.memory_space<hbm>>
      %dma_start3A_15 = arith.constant 0 : i32
      %dma_start3A_16 = arith.constant 0 : i32
      %dma_start3A_17 = tpu.memref_slice %arg3[%add3A, %dma_start3A_15, %dma_start3A_16] : memref<32x26x512xi32, #tpu.memory_space<hbm>> -> memref<1x26x512xi32, #tpu.memory_space<hbm>>
      %dma_start3A_18 = tpu.memref_squeeze %dma_start3A_17 : memref<1x26x512xi32, #tpu.memory_space<hbm>> -> memref<26x512xi32, #tpu.memory_space<hbm>>
      tpu.enqueue_dma source(%dma_start3A_18 : memref<26x512xi32, #tpu.memory_space<hbm>>) target(%arg8 : memref<26x512xi32, #tpu.memory_space<vmem>>) target_semaphore(%run_scoped3A : memref<!tpu.dma_semaphore, #tpu.memory_space<semaphore_mem>>)
      %dma_wait3A = arith.constant 0 : i32
      %dma_wait3A_19 = arith.constant 0 : i32
      %dma_wait3A_20 = tpu.memref_slice %arg3[%add3A, %dma_wait3A, %dma_wait3A_19] : memref<32x26x512xi32, #tpu.memory_space<hbm>> -> memref<1x26x512xi32, #tpu.memory_space<hbm>>
      %dma_wait3A_21 = tpu.memref_squeeze %dma_wait3A_20 : memref<1x26x512xi32, #tpu.memory_space<hbm>> -> memref<26x512xi32, #tpu.memory_space<hbm>>
      %dma_wait3A_22 = arith.constant 0 : i32
      %dma_wait3A_23 = arith.constant 0 : i32
      %dma_wait3A_24 = tpu.memref_slice %arg3[%add3A, %dma_wait3A_22, %dma_wait3A_23] : memref<32x26x512xi32, #tpu.memory_space<hbm>> -> memref<1x26x512xi32, #tpu.memory_space<hbm>>
      %dma_wait3A_25 = tpu.memref_squeeze %dma_wait3A_24 : memref<1x26x512xi32, #tpu.memory_space<hbm>> -> memref<26x512xi32, #tpu.memory_space<hbm>>
      tpu.wait_dma2 semaphore(%run_scoped3A : memref<!tpu.dma_semaphore, #tpu.memory_space<semaphore_mem>>) src(%dma_wait3A_25 : memref<26x512xi32, #tpu.memory_space<hbm>>) dst(%arg8 : memref<26x512xi32, #tpu.memory_space<vmem>>)
      tpu.yield
    }) : () -> ()
    "tpu.region"() ({
      %run_scoped3A = tpu.sem_alloc : memref<!tpu.dma_semaphore, #tpu.memory_space<semaphore_mem>>
      %dma_start3A = arith.constant 0 : i32
      %dma_start3A_12 = arith.constant 0 : i32
      %dma_start3A_13 = tpu.memref_slice %arg4[%add3A, %dma_start3A, %dma_start3A_12] : memref<32x104x128xi32, #tpu.memory_space<hbm>> -> memref<1x104x128xi32, #tpu.memory_space<hbm>>
      %dma_start3A_14 = tpu.memref_squeeze %dma_start3A_13 : memref<1x104x128xi32, #tpu.memory_space<hbm>> -> memref<104x128xi32, #tpu.memory_space<hbm>>
      %dma_start3A_15 = arith.constant 0 : i32
      %dma_start3A_16 = arith.constant 0 : i32
      %dma_start3A_17 = tpu.memref_slice %arg4[%add3A, %dma_start3A_15, %dma_start3A_16] : memref<32x104x128xi32, #tpu.memory_space<hbm>> -> memref<1x104x128xi32, #tpu.memory_space<hbm>>
      %dma_start3A_18 = tpu.memref_squeeze %dma_start3A_17 : memref<1x104x128xi32, #tpu.memory_space<hbm>> -> memref<104x128xi32, #tpu.memory_space<hbm>>
      tpu.enqueue_dma source(%dma_start3A_18 : memref<104x128xi32, #tpu.memory_space<hbm>>) target(%arg9 : memref<104x128xi32, #tpu.memory_space<vmem>>) target_semaphore(%run_scoped3A : memref<!tpu.dma_semaphore, #tpu.memory_space<semaphore_mem>>)
      %dma_wait3A = arith.constant 0 : i32
      %dma_wait3A_19 = arith.constant 0 : i32
      %dma_wait3A_20 = tpu.memref_slice %arg4[%add3A, %dma_wait3A, %dma_wait3A_19] : memref<32x104x128xi32, #tpu.memory_space<hbm>> -> memref<1x104x128xi32, #tpu.memory_space<hbm>>
      %dma_wait3A_21 = tpu.memref_squeeze %dma_wait3A_20 : memref<1x104x128xi32, #tpu.memory_space<hbm>> -> memref<104x128xi32, #tpu.memory_space<hbm>>
      %dma_wait3A_22 = arith.constant 0 : i32
      %dma_wait3A_23 = arith.constant 0 : i32
      %dma_wait3A_24 = tpu.memref_slice %arg4[%add3A, %dma_wait3A_22, %dma_wait3A_23] : memref<32x104x128xi32, #tpu.memory_space<hbm>> -> memref<1x104x128xi32, #tpu.memory_space<hbm>>
      %dma_wait3A_25 = tpu.memref_squeeze %dma_wait3A_24 : memref<1x104x128xi32, #tpu.memory_space<hbm>> -> memref<104x128xi32, #tpu.memory_space<hbm>>
      tpu.wait_dma2 semaphore(%run_scoped3A : memref<!tpu.dma_semaphore, #tpu.memory_space<semaphore_mem>>) src(%dma_wait3A_25 : memref<104x128xi32, #tpu.memory_space<hbm>>) dst(%arg9 : memref<104x128xi32, #tpu.memory_space<vmem>>)
      tpu.yield
    }) : () -> ()
    "tpu.region"() ({
      %run_scoped3A = tpu.sem_alloc : memref<!tpu.dma_semaphore, #tpu.memory_space<semaphore_mem>>
      %dma_start3A = arith.constant 0 : i32
      %dma_start3A_12 = arith.constant 0 : i32
      %dma_start3A_13 = tpu.memref_slice %arg5[%add3A, %dma_start3A, %dma_start3A_12] : memref<32x8x128xi32, #tpu.memory_space<hbm>> -> memref<1x8x128xi32, #tpu.memory_space<hbm>>
      %dma_start3A_14 = tpu.memref_squeeze %dma_start3A_13 : memref<1x8x128xi32, #tpu.memory_space<hbm>> -> memref<8x128xi32, #tpu.memory_space<hbm>>
      %dma_start3A_15 = arith.constant 0 : i32
      %dma_start3A_16 = arith.constant 0 : i32
      %dma_start3A_17 = tpu.memref_slice %arg5[%add3A, %dma_start3A_15, %dma_start3A_16] : memref<32x8x128xi32, #tpu.memory_space<hbm>> -> memref<1x8x128xi32, #tpu.memory_space<hbm>>
      %dma_start3A_18 = tpu.memref_squeeze %dma_start3A_17 : memref<1x8x128xi32, #tpu.memory_space<hbm>> -> memref<8x128xi32, #tpu.memory_space<hbm>>
      tpu.enqueue_dma source(%dma_start3A_18 : memref<8x128xi32, #tpu.memory_space<hbm>>) target(%arg10 : memref<8x128xi32, #tpu.memory_space<vmem>>) target_semaphore(%run_scoped3A : memref<!tpu.dma_semaphore, #tpu.memory_space<semaphore_mem>>)
      %dma_wait3A = arith.constant 0 : i32
      %dma_wait3A_19 = arith.constant 0 : i32
      %dma_wait3A_20 = tpu.memref_slice %arg5[%add3A, %dma_wait3A, %dma_wait3A_19] : memref<32x8x128xi32, #tpu.memory_space<hbm>> -> memref<1x8x128xi32, #tpu.memory_space<hbm>>
      %dma_wait3A_21 = tpu.memref_squeeze %dma_wait3A_20 : memref<1x8x128xi32, #tpu.memory_space<hbm>> -> memref<8x128xi32, #tpu.memory_space<hbm>>
      %dma_wait3A_22 = arith.constant 0 : i32
      %dma_wait3A_23 = arith.constant 0 : i32
      %dma_wait3A_24 = tpu.memref_slice %arg5[%add3A, %dma_wait3A_22, %dma_wait3A_23] : memref<32x8x128xi32, #tpu.memory_space<hbm>> -> memref<1x8x128xi32, #tpu.memory_space<hbm>>
      %dma_wait3A_25 = tpu.memref_squeeze %dma_wait3A_24 : memref<1x8x128xi32, #tpu.memory_space<hbm>> -> memref<8x128xi32, #tpu.memory_space<hbm>>
      tpu.wait_dma2 semaphore(%run_scoped3A : memref<!tpu.dma_semaphore, #tpu.memory_space<semaphore_mem>>) src(%dma_wait3A_25 : memref<8x128xi32, #tpu.memory_space<hbm>>) dst(%arg10 : memref<8x128xi32, #tpu.memory_space<vmem>>)
      tpu.yield
    }) : () -> ()
    %scan3A = arith.constant 0 : i32
    %scan3A_1 = arith.constant 0 : i32
    %scan3A_2 = arith.constant 26 : i32
    %scan3A_3 = arith.addi %scan3A_1, %scan3A_2 : i32
    %scan3A_4 = arith.constant 1 : i32
    scf.for %scan3A_12 = %scan3A_1 to %scan3A_3 step %scan3A_4  : i32 {
      %dma_start3A = arith.constant 0 : i32
      %dma_start3A_13 = tpu.memref_slice %arg8[%scan3A_12, %dma_start3A] : memref<26x512xi32, #tpu.memory_space<vmem>> -> memref<1x512xi32, #tpu.memory_space<vmem>>
      %dma_start3A_14 = tpu.memref_squeeze %dma_start3A_13 : memref<1x512xi32, #tpu.memory_space<vmem>> -> memref<512xi32, #tpu.memory_space<vmem>>
      %dma_start3A_15 = arith.constant 0 : i32
      %dma_start3A_16 = arith.constant 0 : i32
      %dma_start3A_17 = tpu.memref_slice %arg2[%dma_start3A_15, %dma_start3A_16] : memref<2609152x32xf32, #tpu.memory_space<hbm>> -> memref<2609152x32xf32, #tpu.memory_space<hbm>>
      tpu.enqueue_indirect_dma source(%dma_start3A_17 : memref<2609152x32xf32, #tpu.memory_space<hbm>>) target(%arg11 : memref<512x32xf32, #tpu.memory_space<vmem>>) offsets(%dma_start3A_14 : memref<512xi32, #tpu.memory_space<vmem>>) semaphore(%arg12 : memref<!tpu.dma_semaphore, #tpu.memory_space<semaphore_mem>>)
      %dma_wait3A = arith.constant 0 : i32
      %dma_wait3A_18 = tpu.memref_slice %arg8[%scan3A_12, %dma_wait3A] : memref<26x512xi32, #tpu.memory_space<vmem>> -> memref<1x512xi32, #tpu.memory_space<vmem>>
      %dma_wait3A_19 = tpu.memref_squeeze %dma_wait3A_18 : memref<1x512xi32, #tpu.memory_space<vmem>> -> memref<512xi32, #tpu.memory_space<vmem>>
      %dma_wait3A_20 = arith.constant 0 : i32
      %dma_wait3A_21 = arith.constant 0 : i32
      %dma_wait3A_22 = tpu.memref_slice %arg2[%dma_wait3A_20, %dma_wait3A_21] : memref<2609152x32xf32, #tpu.memory_space<hbm>> -> memref<2609152x32xf32, #tpu.memory_space<hbm>>
      tpu.wait_indirect_dma semaphore(%arg12 : memref<!tpu.dma_semaphore, #tpu.memory_space<semaphore_mem>>) src(%dma_wait3A_22 : memref<2609152x32xf32, #tpu.memory_space<hbm>>) dst(%arg11 : memref<512x32xf32, #tpu.memory_space<vmem>>)
      %scan3A_23 = arith.constant 0 : i32
      %scan3A_24 = arith.constant 0 : i32
      %scan3A_25 = arith.constant 4 : i32
      %scan3A_26 = arith.addi %scan3A_24, %scan3A_25 : i32
      %scan3A_27 = arith.constant 1 : i32
      scf.for %scan3A_29 = %scan3A_24 to %scan3A_26 step %scan3A_27  : i32 {
        %mul3A_30 = arith.constant 128 : i32
        %mul3A_31 = arith.muli %scan3A_29, %mul3A_30 : i32
        %mul3A_32 = arith.constant 4 : i32
        %mul3A_33 = arith.muli %scan3A_12, %mul3A_32 : i32
        %add3A_34 = arith.addi %mul3A_33, %scan3A_29 : i32
        %dma_start3A_35 = arith.constant 0 : i32
        %dma_start3A_36 = tpu.memref_slice %arg11[%mul3A_31, %dma_start3A_35] : memref<512x32xf32, #tpu.memory_space<vmem>> -> memref<128x32xf32, #tpu.memory_space<vmem>>
        %dma_start3A_37 = arith.constant 0 : i32
        %dma_start3A_38 = tpu.memref_slice %arg9[%add3A_34, %dma_start3A_37] : memref<104x128xi32, #tpu.memory_space<vmem>> -> memref<1x128xi32, #tpu.memory_space<vmem>>
        %dma_start3A_39 = tpu.memref_squeeze %dma_start3A_38 : memref<1x128xi32, #tpu.memory_space<vmem>> -> memref<128xi32, #tpu.memory_space<vmem>>
        %dma_start3A_40 = arith.constant 0 : i32
        %dma_start3A_41 = arith.constant 0 : i32
        %dma_start3A_42 = tpu.memref_slice %arg7[%dma_start3A_40, %dma_start3A_41] : memref<458752x32xf32, #tpu.memory_space<hbm>> -> memref<458752x32xf32, #tpu.memory_space<hbm>>
        tpu.enqueue_indirect_dma source(%dma_start3A_36 : memref<128x32xf32, #tpu.memory_space<vmem>>) target(%dma_start3A_42 : memref<458752x32xf32, #tpu.memory_space<hbm>>) offsets(%dma_start3A_39 : memref<128xi32, #tpu.memory_space<vmem>>) semaphore(%arg12 : memref<!tpu.dma_semaphore, #tpu.memory_space<semaphore_mem>>)
        %dma_wait3A_43 = arith.constant 0 : i32
        %dma_wait3A_44 = tpu.memref_slice %arg11[%mul3A_31, %dma_wait3A_43] : memref<512x32xf32, #tpu.memory_space<vmem>> -> memref<128x32xf32, #tpu.memory_space<vmem>>
        %dma_wait3A_45 = arith.constant 0 : i32
        %dma_wait3A_46 = tpu.memref_slice %arg9[%add3A_34, %dma_wait3A_45] : memref<104x128xi32, #tpu.memory_space<vmem>> -> memref<1x128xi32, #tpu.memory_space<vmem>>
        %dma_wait3A_47 = tpu.memref_squeeze %dma_wait3A_46 : memref<1x128xi32, #tpu.memory_space<vmem>> -> memref<128xi32, #tpu.memory_space<vmem>>
        %dma_wait3A_48 = arith.constant 0 : i32
        %dma_wait3A_49 = arith.constant 0 : i32
        %dma_wait3A_50 = tpu.memref_slice %arg7[%dma_wait3A_48, %dma_wait3A_49] : memref<458752x32xf32, #tpu.memory_space<hbm>> -> memref<458752x32xf32, #tpu.memory_space<hbm>>
        tpu.wait_indirect_dma semaphore(%arg12 : memref<!tpu.dma_semaphore, #tpu.memory_space<semaphore_mem>>) src(%dma_wait3A_44 : memref<128x32xf32, #tpu.memory_space<vmem>>) dst(%dma_wait3A_50 : memref<458752x32xf32, #tpu.memory_space<hbm>>)
      }
      %scan3A_28 = arith.constant 4 : i32
    }
    %scan3A_5 = arith.constant 26 : i32
    %scan3A_6 = arith.constant 0 : i32
    %scan3A_7 = arith.constant 0 : i32
    %scan3A_8 = arith.constant 2 : i32
    %scan3A_9 = arith.addi %scan3A_7, %scan3A_8 : i32
    %scan3A_10 = arith.constant 1 : i32
    scf.for %scan3A_12 = %scan3A_7 to %scan3A_9 step %scan3A_10  : i32 {
      %mul3A_13 = arith.constant 1024 : i32
      %mul3A_14 = arith.muli %add3A, %mul3A_13 : i32
      %mul3A_15 = arith.constant 512 : i32
      %mul3A_16 = arith.muli %scan3A_12, %mul3A_15 : i32
      %add3A_17 = arith.addi %mul3A_14, %mul3A_16 : i32
      "tpu.region"() ({
        %run_scoped3A = tpu.sem_alloc : memref<!tpu.dma_semaphore, #tpu.memory_space<semaphore_mem>>
        %dma_start3A = arith.constant 0 : i32
        %dma_start3A_24 = tpu.memref_slice %arg6[%add3A_17, %dma_start3A] : memref<32768x32xf32, #tpu.memory_space<hbm>> -> memref<512x32xf32, #tpu.memory_space<hbm>>
        %dma_start3A_25 = arith.constant 0 : i32
        %dma_start3A_26 = tpu.memref_slice %arg6[%add3A_17, %dma_start3A_25] : memref<32768x32xf32, #tpu.memory_space<hbm>> -> memref<512x32xf32, #tpu.memory_space<hbm>>
        tpu.enqueue_dma source(%dma_start3A_26 : memref<512x32xf32, #tpu.memory_space<hbm>>) target(%arg11 : memref<512x32xf32, #tpu.memory_space<vmem>>) target_semaphore(%run_scoped3A : memref<!tpu.dma_semaphore, #tpu.memory_space<semaphore_mem>>)
        %dma_wait3A = arith.constant 0 : i32
        %dma_wait3A_27 = tpu.memref_slice %arg6[%add3A_17, %dma_wait3A] : memref<32768x32xf32, #tpu.memory_space<hbm>> -> memref<512x32xf32, #tpu.memory_space<hbm>>
        %dma_wait3A_28 = arith.constant 0 : i32
        %dma_wait3A_29 = tpu.memref_slice %arg6[%add3A_17, %dma_wait3A_28] : memref<32768x32xf32, #tpu.memory_space<hbm>> -> memref<512x32xf32, #tpu.memory_space<hbm>>
        tpu.wait_dma2 semaphore(%run_scoped3A : memref<!tpu.dma_semaphore, #tpu.memory_space<semaphore_mem>>) src(%dma_wait3A_29 : memref<512x32xf32, #tpu.memory_space<hbm>>) dst(%arg11 : memref<512x32xf32, #tpu.memory_space<vmem>>)
        tpu.yield
      }) : () -> ()
      %scan3A_18 = arith.constant 0 : i32
      %scan3A_19 = arith.constant 0 : i32
      %scan3A_20 = arith.constant 4 : i32
      %scan3A_21 = arith.addi %scan3A_19, %scan3A_20 : i32
      %scan3A_22 = arith.constant 1 : i32
      scf.for %scan3A_24 = %scan3A_19 to %scan3A_21 step %scan3A_22  : i32 {
        %mul3A_25 = arith.constant 128 : i32
        %mul3A_26 = arith.muli %scan3A_24, %mul3A_25 : i32
        %mul3A_27 = arith.constant 4 : i32
        %mul3A_28 = arith.muli %scan3A_12, %mul3A_27 : i32
        %add3A_29 = arith.addi %mul3A_28, %scan3A_24 : i32
        %dma_start3A = arith.constant 0 : i32
        %dma_start3A_30 = tpu.memref_slice %arg11[%mul3A_26, %dma_start3A] : memref<512x32xf32, #tpu.memory_space<vmem>> -> memref<128x32xf32, #tpu.memory_space<vmem>>
        %dma_start3A_31 = arith.constant 0 : i32
        %dma_start3A_32 = tpu.memref_slice %arg10[%add3A_29, %dma_start3A_31] : memref<8x128xi32, #tpu.memory_space<vmem>> -> memref<1x128xi32, #tpu.memory_space<vmem>>
        %dma_start3A_33 = tpu.memref_squeeze %dma_start3A_32 : memref<1x128xi32, #tpu.memory_space<vmem>> -> memref<128xi32, #tpu.memory_space<vmem>>
        %dma_start3A_34 = arith.constant 0 : i32
        %dma_start3A_35 = arith.constant 0 : i32
        %dma_start3A_36 = tpu.memref_slice %arg7[%dma_start3A_34, %dma_start3A_35] : memref<458752x32xf32, #tpu.memory_space<hbm>> -> memref<458752x32xf32, #tpu.memory_space<hbm>>
        tpu.enqueue_indirect_dma source(%dma_start3A_30 : memref<128x32xf32, #tpu.memory_space<vmem>>) target(%dma_start3A_36 : memref<458752x32xf32, #tpu.memory_space<hbm>>) offsets(%dma_start3A_33 : memref<128xi32, #tpu.memory_space<vmem>>) semaphore(%arg12 : memref<!tpu.dma_semaphore, #tpu.memory_space<semaphore_mem>>)
        %dma_wait3A = arith.constant 0 : i32
        %dma_wait3A_37 = tpu.memref_slice %arg11[%mul3A_26, %dma_wait3A] : memref<512x32xf32, #tpu.memory_space<vmem>> -> memref<128x32xf32, #tpu.memory_space<vmem>>
        %dma_wait3A_38 = arith.constant 0 : i32
        %dma_wait3A_39 = tpu.memref_slice %arg10[%add3A_29, %dma_wait3A_38] : memref<8x128xi32, #tpu.memory_space<vmem>> -> memref<1x128xi32, #tpu.memory_space<vmem>>
        %dma_wait3A_40 = tpu.memref_squeeze %dma_wait3A_39 : memref<1x128xi32, #tpu.memory_space<vmem>> -> memref<128xi32, #tpu.memory_space<vmem>>
        %dma_wait3A_41 = arith.constant 0 : i32
        %dma_wait3A_42 = arith.constant 0 : i32
        %dma_wait3A_43 = tpu.memref_slice %arg7[%dma_wait3A_41, %dma_wait3A_42] : memref<458752x32xf32, #tpu.memory_space<hbm>> -> memref<458752x32xf32, #tpu.memory_space<hbm>>
        tpu.wait_indirect_dma semaphore(%arg12 : memref<!tpu.dma_semaphore, #tpu.memory_space<semaphore_mem>>) src(%dma_wait3A_37 : memref<128x32xf32, #tpu.memory_space<vmem>>) dst(%dma_wait3A_43 : memref<458752x32xf32, #tpu.memory_space<hbm>>)
      }
      %scan3A_23 = arith.constant 4 : i32
    }
    %scan3A_11 = arith.constant 2 : i32
    return
  }
}

module attributes {stable_mosaic.version = 14 : i64} {
  func.func @_xform_body(%arg0: i32, %arg1: i32, %arg2: memref<1x32x6272xf32, #tpu.memory_space<vmem>>, %arg3: memref<1x32x6272xf32, #tpu.memory_space<vmem>>, %arg4: memref<1x32x6272xf32, #tpu.memory_space<vmem>>, %arg5: memref<1x32x6272xf32, #tpu.memory_space<vmem>>, %arg6: memref<6272x128xf32, #tpu.memory_space<vmem>>) attributes {dimension_semantics = [#tpu.dimension_semantics<arbitrary>, #tpu.dimension_semantics<arbitrary>], iteration_bounds = array<i64: 26, 4>, scalar_prefetch = 0 : i64, scratch_operands = 0 : i64, tpu.core_type = #tpu.core_type<tc>, window_params = [{transform_indices = @transform_0, window_bounds = array<i64: 1, 32, 6272>}, {transform_indices = @transform_1, window_bounds = array<i64: 1, 32, 6272>}, {transform_indices = @transform_2, window_bounds = array<i64: 1, 32, 6272>}, {transform_indices = @transform_3, window_bounds = array<i64: 1, 32, 6272>}, {transform_indices = @transform_4, window_bounds = array<i64: 6272, 128>}]} {
    %eq3A = arith.constant 3 : i32
    %eq3A_0 = arith.cmpi eq, %arg1, %eq3A : i32
    %jit3A = arith.constant 5920 : i32
    %jit3A_1 = arith.constant 6272 : i32
    %select_n3A = arith.select %eq3A_0, %jit3A, %jit3A_1 : i32
    %iota3A = tpu.iota {dimensions = array<i32: 1>} : vector<32x6272xi32>
    %lt3A = vector.broadcast %select_n3A : i32 to vector<32x6272xi32>
    %lt3A_2 = arith.cmpi slt, %iota3A, %lt3A : vector<32x6272xi32>
    %get3A = arith.constant 0 : index
    %get3A_3 = arith.constant 0 : index
    %get3A_4 = arith.constant 0 : index
    %get3A_5 = vector.load %arg5[%get3A, %get3A_3, %get3A_4] : memref<1x32x6272xf32, #tpu.memory_space<vmem>>, vector<1x32x6272xf32>
    %get3A_6 = vector.shape_cast %get3A_5 : vector<1x32x6272xf32> to vector<32x6272xf32>
    %jit3A_7 = arith.constant 0.000000e+00 : f32
    %broadcast_in_dim3A = vector.broadcast %jit3A_7 : f32 to vector<32x6272xf32>
    %select_n3A_8 = arith.select %lt3A_2, %get3A_6, %broadcast_in_dim3A : vector<32x6272xi1>, vector<32x6272xf32>
    %get3A_9 = arith.constant 0 : index
    %get3A_10 = arith.constant 0 : index
    %get3A_11 = arith.constant 0 : index
    %get3A_12 = vector.load %arg2[%get3A_9, %get3A_10, %get3A_11] : memref<1x32x6272xf32, #tpu.memory_space<vmem>>, vector<1x32x6272xf32>
    %get3A_13 = vector.shape_cast %get3A_12 : vector<1x32x6272xf32> to vector<32x6272xf32>
    %get3A_14 = arith.constant 0 : index
    %get3A_15 = arith.constant 0 : index
    %get3A_16 = arith.constant 0 : index
    %get3A_17 = vector.load %arg3[%get3A_14, %get3A_15, %get3A_16] : memref<1x32x6272xf32, #tpu.memory_space<vmem>>, vector<1x32x6272xf32>
    %get3A_18 = vector.shape_cast %get3A_17 : vector<1x32x6272xf32> to vector<32x6272xf32>
    %get3A_19 = arith.constant 0 : index
    %get3A_20 = arith.constant 0 : index
    %get3A_21 = arith.constant 0 : index
    %get3A_22 = vector.load %arg4[%get3A_19, %get3A_20, %get3A_21] : memref<1x32x6272xf32, #tpu.memory_space<vmem>>, vector<1x32x6272xf32>
    %get3A_23 = vector.shape_cast %get3A_22 : vector<1x32x6272xf32> to vector<32x6272xf32>
    %concatenate3A = tpu.concatenate %get3A_13, %get3A_18, %get3A_23, %select_n3A_8 in 0 : vector<32x6272xf32>, vector<32x6272xf32>, vector<32x6272xf32>, vector<32x6272xf32> -> vector<128x6272xf32>
    %transpose3A = tpu.transpose %concatenate3A, [1, 0] : vector<128x6272xf32> -> vector<6272x128xf32>
    %swap3A = arith.constant 0 : index
    %swap3A_24 = arith.constant 0 : index
    %swap3A_25 = vector.load %arg6[%swap3A, %swap3A_24] : memref<6272x128xf32, #tpu.memory_space<vmem>>, vector<6272x128xf32>
    tpu.vector_store %arg6[%swap3A, %swap3A_24], %transpose3A {strides = array<i32>} : memref<6272x128xf32, #tpu.memory_space<vmem>>, vector<6272x128xf32>,
    return
  }
  func.func @transform_0(%arg0: i32, %arg1: i32) -> (i32, i32, i32) {
    %add3A = arith.constant 0 : i32
    %add3A_0 = arith.addi %add3A, %arg1 : i32
    %c0_i32 = arith.constant 0 : i32
    %c0_i32_1 = arith.constant 0 : i32
    return %arg0, %c0_i32, %add3A_0 : i32, i32, i32
  }
  func.func @transform_1(%arg0: i32, %arg1: i32) -> (i32, i32, i32) {
    %add3A = arith.constant 4 : i32
    %add3A_0 = arith.addi %add3A, %arg1 : i32
    %c0_i32 = arith.constant 0 : i32
    %c0_i32_1 = arith.constant 0 : i32
    return %arg0, %c0_i32, %add3A_0 : i32, i32, i32
  }
  func.func @transform_2(%arg0: i32, %arg1: i32) -> (i32, i32, i32) {
    %add3A = arith.constant 8 : i32
    %add3A_0 = arith.addi %add3A, %arg1 : i32
    %c0_i32 = arith.constant 0 : i32
    %c0_i32_1 = arith.constant 0 : i32
    return %arg0, %c0_i32, %add3A_0 : i32, i32, i32
  }
  func.func @transform_3(%arg0: i32, %arg1: i32) -> (i32, i32, i32) {
    %add3A = arith.constant 12 : i32
    %add3A_0 = arith.addi %add3A, %arg1 : i32
    %c0_i32 = arith.constant 0 : i32
    %c0_i32_1 = arith.constant 0 : i32
    return %arg0, %c0_i32, %add3A_0 : i32, i32, i32
  }
  func.func @transform_4(%arg0: i32, %arg1: i32) -> (i32, i32) {
    %mul3A = arith.constant 4 : i32
    %mul3A_0 = arith.muli %mul3A, %arg0 : i32
    %add3A = arith.addi %mul3A_0, %arg1 : i32
    %c0_i32 = arith.constant 0 : i32
    %c0_i32_1 = arith.constant 0 : i32
    return %add3A, %c0_i32 : i32, i32
  }
}

module attributes {stable_mosaic.version = 14 : i64} {
  func.func @_mlp_body(%arg0: i32, %arg1: memref<2048x896xf32, #tpu.memory_space<vmem>>, %arg2: memref<896x256xf32, #tpu.memory_space<vmem>>, %arg3: memref<1x256xf32, #tpu.memory_space<vmem>>, %arg4: memref<256x128xf32, #tpu.memory_space<vmem>>, %arg5: memref<1x128xf32, #tpu.memory_space<vmem>>, %arg6: memref<128x1xf32, #tpu.memory_space<vmem>>, %arg7: memref<1x1xf32, #tpu.memory_space<vmem>>, %arg8: memref<2048x1xf32, #tpu.memory_space<vmem>>) attributes {dimension_semantics = [#tpu.dimension_semantics<arbitrary>], iteration_bounds = array<i64: 8>, scalar_prefetch = 0 : i64, scratch_operands = 0 : i64, tpu.core_type = #tpu.core_type<tc>, window_params = [{transform_indices = @transform_0, window_bounds = array<i64: 2048, 896>}, {pipeline_mode = #tpu.pipeline_mode<synchronous>, transform_indices = @transform_1, window_bounds = array<i64: 896, 256>}, {pipeline_mode = #tpu.pipeline_mode<synchronous>, transform_indices = @transform_2, window_bounds = array<i64: 1, 256>}, {pipeline_mode = #tpu.pipeline_mode<synchronous>, transform_indices = @transform_3, window_bounds = array<i64: 256, 128>}, {pipeline_mode = #tpu.pipeline_mode<synchronous>, transform_indices = @transform_4, window_bounds = array<i64: 1, 128>}, {pipeline_mode = #tpu.pipeline_mode<synchronous>, transform_indices = @transform_5, window_bounds = array<i64: 128, 1>}, {pipeline_mode = #tpu.pipeline_mode<synchronous>, transform_indices = @transform_6, window_bounds = array<i64: 1, 1>}, {transform_indices = @transform_7, window_bounds = array<i64: 2048, 1>}]} {
    %get3A = arith.constant 0 : index
    %get3A_0 = arith.constant 0 : index
    %get3A_1 = vector.load %arg1[%get3A, %get3A_0] : memref<2048x896xf32, #tpu.memory_space<vmem>>, vector<2048x896xf32>
    %get3A_2 = arith.constant 0 : index
    %get3A_3 = arith.constant 0 : index
    %get3A_4 = vector.load %arg2[%get3A_2, %get3A_3] : memref<896x256xf32, #tpu.memory_space<vmem>>, vector<896x256xf32>
    %dot_general3A = arith.constant dense<0.000000e+00> : vector<2048x256xf32>
    %dot_general3A_5 = tpu.matmul %get3A_1, %get3A_4, %dot_general3A {dimension_numbers = #tpu.dot_dimension_numbers<[1], [0], [0], [1], [0, 0, 1, 1], [], []>, transpose_lhs_hint = false} : vector<2048x896xf32>, vector<896x256xf32>, vector<2048x256xf32> -> vector<2048x256xf32>
    %get3A_6 = arith.constant 0 : index
    %get3A_7 = arith.constant 0 : index
    %get3A_8 = vector.load %arg3[%get3A_6, %get3A_7] : memref<1x256xf32, #tpu.memory_space<vmem>>, vector<1x256xf32>
    %add3A = vector.broadcast %get3A_8 : vector<1x256xf32> to vector<2048x256xf32>
    %add3A_9 = arith.addf %dot_general3A_5, %add3A : vector<2048x256xf32>
    %logistic3A = arith.negf %add3A_9 : vector<2048x256xf32>
    %logistic3A_10 = math.exp %logistic3A : vector<2048x256xf32>
    %logistic3A_11 = arith.constant 1.000000e+00 : f32
    %logistic3A_12 = vector.broadcast %logistic3A_11 : f32 to vector<2048x256xf32>
    %logistic3A_13 = arith.addf %logistic3A_12, %logistic3A_10 : vector<2048x256xf32>
    %logistic3A_14 = arith.divf %logistic3A_12, %logistic3A_13 : vector<2048x256xf32>
    %get3A_15 = arith.constant 0 : index
    %get3A_16 = arith.constant 0 : index
    %get3A_17 = vector.load %arg4[%get3A_15, %get3A_16] : memref<256x128xf32, #tpu.memory_space<vmem>>, vector<256x128xf32>
    %dot_general3A_18 = arith.constant dense<0.000000e+00> : vector<2048x128xf32>
    %dot_general3A_19 = tpu.matmul %logistic3A_14, %get3A_17, %dot_general3A_18 {dimension_numbers = #tpu.dot_dimension_numbers<[1], [0], [0], [1], [0, 0, 1, 1], [], []>, transpose_lhs_hint = false} : vector<2048x256xf32>, vector<256x128xf32>, vector<2048x128xf32> -> vector<2048x128xf32>
    %get3A_20 = arith.constant 0 : index
    %get3A_21 = arith.constant 0 : index
    %get3A_22 = vector.load %arg5[%get3A_20, %get3A_21] : memref<1x128xf32, #tpu.memory_space<vmem>>, vector<1x128xf32>
    %add3A_23 = vector.broadcast %get3A_22 : vector<1x128xf32> to vector<2048x128xf32>
    %add3A_24 = arith.addf %dot_general3A_19, %add3A_23 : vector<2048x128xf32>
    %logistic3A_25 = arith.negf %add3A_24 : vector<2048x128xf32>
    %logistic3A_26 = math.exp %logistic3A_25 : vector<2048x128xf32>
    %logistic3A_27 = arith.constant 1.000000e+00 : f32
    %logistic3A_28 = vector.broadcast %logistic3A_27 : f32 to vector<2048x128xf32>
    %logistic3A_29 = arith.addf %logistic3A_28, %logistic3A_26 : vector<2048x128xf32>
    %logistic3A_30 = arith.divf %logistic3A_28, %logistic3A_29 : vector<2048x128xf32>
    %get3A_31 = arith.constant 0 : index
    %get3A_32 = arith.constant 0 : index
    %get3A_33 = vector.load %arg6[%get3A_31, %get3A_32] : memref<128x1xf32, #tpu.memory_space<vmem>>, vector<128x1xf32>
    %dot_general3A_34 = arith.constant dense<0.000000e+00> : vector<2048x1xf32>
    %dot_general3A_35 = tpu.matmul %logistic3A_30, %get3A_33, %dot_general3A_34 {dimension_numbers = #tpu.dot_dimension_numbers<[1], [0], [0], [1], [0, 0, 1, 1], [], []>, transpose_lhs_hint = false} : vector<2048x128xf32>, vector<128x1xf32>, vector<2048x1xf32> -> vector<2048x1xf32>
    %get3A_36 = arith.constant 0 : index
    %get3A_37 = arith.constant 0 : index
    %get3A_38 = vector.load %arg7[%get3A_36, %get3A_37] : memref<1x1xf32, #tpu.memory_space<vmem>>, vector<1x1xf32>
    %add3A_39 = vector.broadcast %get3A_38 : vector<1x1xf32> to vector<2048x1xf32>
    %add3A_40 = arith.addf %dot_general3A_35, %add3A_39 : vector<2048x1xf32>
    %logistic3A_41 = arith.negf %add3A_40 : vector<2048x1xf32>
    %logistic3A_42 = math.exp %logistic3A_41 : vector<2048x1xf32>
    %logistic3A_43 = arith.constant 1.000000e+00 : f32
    %logistic3A_44 = vector.broadcast %logistic3A_43 : f32 to vector<2048x1xf32>
    %logistic3A_45 = arith.addf %logistic3A_44, %logistic3A_42 : vector<2048x1xf32>
    %logistic3A_46 = arith.divf %logistic3A_44, %logistic3A_45 : vector<2048x1xf32>
    %swap3A = arith.constant 0 : index
    %swap3A_47 = arith.constant 0 : index
    %swap3A_48 = vector.load %arg8[%swap3A, %swap3A_47] : memref<2048x1xf32, #tpu.memory_space<vmem>>, vector<2048x1xf32>
    tpu.vector_store %arg8[%swap3A, %swap3A_47], %logistic3A_46 {strides = array<i32>} : memref<2048x1xf32, #tpu.memory_space<vmem>>, vector<2048x1xf32>,
    return
  }
  func.func @transform_0(%arg0: i32) -> (i32, i32) {
    %c0_i32 = arith.constant 0 : i32
    %c0_i32_0 = arith.constant 0 : i32
    return %arg0, %c0_i32 : i32, i32
  }
  func.func @transform_1(%arg0: i32) -> (i32, i32) {
    %c0_i32 = arith.constant 0 : i32
    %c0_i32_0 = arith.constant 0 : i32
    %c0_i32_1 = arith.constant 0 : i32
    return %c0_i32, %c0_i32_0 : i32, i32
  }
  func.func @transform_2(%arg0: i32) -> (i32, i32) {
    %c0_i32 = arith.constant 0 : i32
    %c0_i32_0 = arith.constant 0 : i32
    %c0_i32_1 = arith.constant 0 : i32
    return %c0_i32, %c0_i32_0 : i32, i32
  }
  func.func @transform_3(%arg0: i32) -> (i32, i32) {
    %c0_i32 = arith.constant 0 : i32
    %c0_i32_0 = arith.constant 0 : i32
    %c0_i32_1 = arith.constant 0 : i32
    return %c0_i32, %c0_i32_0 : i32, i32
  }
  func.func @transform_4(%arg0: i32) -> (i32, i32) {
    %c0_i32 = arith.constant 0 : i32
    %c0_i32_0 = arith.constant 0 : i32
    %c0_i32_1 = arith.constant 0 : i32
    return %c0_i32, %c0_i32_0 : i32, i32
  }
  func.func @transform_5(%arg0: i32) -> (i32, i32) {
    %c0_i32 = arith.constant 0 : i32
    %c0_i32_0 = arith.constant 0 : i32
    %c0_i32_1 = arith.constant 0 : i32
    return %c0_i32, %c0_i32_0 : i32, i32
  }
  func.func @transform_6(%arg0: i32) -> (i32, i32) {
    %c0_i32 = arith.constant 0 : i32
    %c0_i32_0 = arith.constant 0 : i32
    %c0_i32_1 = arith.constant 0 : i32
    return %c0_i32, %c0_i32_0 : i32, i32
  }
  func.func @transform_7(%arg0: i32) -> (i32, i32) {
    %c0_i32 = arith.constant 0 : i32
    %c0_i32_0 = arith.constant 0 : i32
    return %arg0, %c0_i32 : i32, i32
  }
}

</mosaic_0001>

<sc_bundles>
// kernel: kernel.5.cloned.1.call-start
scs
__scs_entry_jumppad:
0x0: {  	(pc) =	sbr.rel $0x88, $3  }
0x1: {  	(tag) =	ssettag $0x0;
	lr =	simm.s32 $0x1  }
0x2: {  	[smem:$0x3F98] =	sst lr;
	_ =	strace $0xD0000000  }
0x3: {  	_ = 	snop  }
0x4: {  	_ = 	snop  }
0x5: {  	_ = 	snop  }
0x6: {  	_ = 	snop  }
0x7: {  	_ = 	snop  }
__scs_overlays_trampoline_lowered:
0x8: {  	[smem:$0x3FA7] =	sst s0  }
0x9: {  	[smem:$0x3FA8] =	sst s1  }
0xa: {  	[smem:$0x3FA9] =	sst s2  }
0xb: {  	[smem:$0x3FAA] =	sst s3  }
0xc: {  	[smem:$0x3FAB] =	sst s4  }
0xd: {  	[smem:$0x3FAC] =	sst s5  }
0xe: {  	[smem:$0x3FAD] =	sst s6  }
0xf: {  	[smem:$0x3FAE] =	sst s7  }
0x10: {  	[smem:$0x3FAF] =	sst s8  }
0x11: {  	[smem:$0x3FB0] =	sst s9;
	s0 =	simm.s32 @!p0 $0x0  }
0x12: {  	s1 =	sld [smem:$0x3F96];
	s0 =	simm.s32 @p0 $0x1  }
0x13: {  	[smem:$0x3FB1] =	sst s0;
	s0 =	simm.s32 @!p1 $0x0  }
0x14: {  	s2 =	sld [smem:$0x3F95];
	s0 =	simm.s32 @p1 $0x1  }
0x15: {  	[smem:$0x3FB2] =	sst s0;
	s0 =	simm.s32 @!p2 $0x0  }
0x16: {  	s3 =	sld [smem:$0x3FDB];
	s0 =	simm.s32 @p2 $0x1  }
0x17: {  	s4 =	simm.s32 $0x1BF5;
	[smem:$0x3FB4] =	sst s0  }
0x18: {  	s0 =	sld [smem:$0x3F97];
	_ =	swait.ge [sflag:s4], $0x0  }
0x19: {  	s7 =	sld [smem:$0x3F98]  }
0x1a: {  	s8 =	sadd.s32 $0xFFFFE003, lr  }
0x1b: {  	s9 =	sadd.s32 $0xFFFFFEF7, lr;
	s5 =	simm.s32 $0xFFFFFFFF;
	p2 =	slt.u32 s8, $0xFFFFF086  }
0x1c: {  	p1 =	slt.u32 s9, $0xF7A;
	s5 =	simm.s32 @!p2 $0x0  }
0x1d: {  	s5 =	simm.s32 @p1 $0x1;
	p0 =	seq.s32 s7, s2  }
0x1e: {  	s7 =	smul.u32 @!p0 $0xF7A, s2;
	p2 =	seq.s32 @!p0 s5, $0x0  }
0x1f: {  	s9 =	smul.u32 $0xF7A, s1;
	s8 =	simm.s32 @!p0 $0x1BF5;
	p2 =	por !p2, p0  }
0x20: {  	[sflag:s8] =	ssyncset.s32 @!p0 $0xFFFFF086;
	s6 =	sadd.s32 @!p0 s3, s7;
	s7 =	simm.s32 @!p0 $0x108  }
0x21: {  	s3 =	sadd.s32 s3, s9;
	s6 =	sadd.s32 @!p0 $0x88, s6;
	s7 =	simm.s32 @p2 $0x1082  }
0x22: {  	[simem:s7], [sflag:s8] =	dma.local @!p0 [hbm:s6], $0xF7A  }
0x23: {  	s9 =	sor.u32 $0xD0000000, s2;
	s6 =	simm.s32 $0x108;
	_ =	swait.ge @!p0 [sflag:s8], $0x0  }
0x24: {  	s3 =	sadd.s32 $0x88, s3;
	s6 =	simm.s32 @!p1 $0x1082;
	[sflag:s4] =	ssyncset.s32 $0xFFFFF086  }
0x25: {  	[simem:s6], [sflag:s4] =	dma.local [hbm:s3], $0xF7A  }
0x26: {  	[smem:$0x3F98] =	sst s1;
	(tag) =	ssettag s2;
	_ =	strace s9  }
0x27: {  	s1 =	sld [smem:$0x3FA8]  }
0x28: {  	s2 =	sld [smem:$0x3FA9]  }
0x29: {  	s4 =	sld [smem:$0x3FAB]  }
0x2a: {  	p0 =	seq.s32 s5, $0x0;
	s5 =	sld [smem:$0x3FAC]  }
0x2b: {  	s6 =	sld [smem:$0x3FAD]  }
0x2c: {  	s7 =	sld [smem:$0x3FAE]  }
0x2d: {  	s3 =	simm.s32 $0x108;
	s8 =	sld [smem:$0x3FAF]  }
0x2e: {  	s3 =	simm.s32 @!p0 $0x1082;
	s9 =	sld [smem:$0x3FB0]  }
0x2f: {  	lr =	sadd.s32 s0, s3;
	s0 =	sld [smem:$0x3FA7]  }
0x30: {  	s3 =	sld [smem:$0x3FAA]  }
0x31: {  	[smem:$0x3FB3] =	sst s10  }
0x32: {  	s10 =	sld [smem:$0x3FB1];
	_ =	sdelay $0x3  }
0x33: {  	p0 =	seq.s32 s10, $0x1;
	s10 =	sld [smem:$0x3FB3];
	_ =	sdelay $0x3  }
0x34: {  	[smem:$0x3FB3] =	sst s10  }
0x35: {  	s10 =	sld [smem:$0x3FB2];
	_ =	sdelay $0x3  }
0x36: {  	p1 =	seq.s32 s10, $0x1;
	s10 =	sld [smem:$0x3FB3];
	_ =	sdelay $0x3  }
0x37: {  	[smem:$0x3FB3] =	sst s10  }
0x38: {  	s10 =	sld [smem:$0x3FB4]  }
0x39: {  	_ = 	snop;
	(pc) =	sbr.ind lr, $3  }
0x3a: {  	_ = 	snop  }
0x3b: {  	_ = 	snop  }
0x3c: {  	p2 =	seq.s32 s10, $0x1;
	s10 =	sld [smem:$0x3FB3]  }
0x3d: {  	_ =	shalt  }
0x3e: {  	_ =	shalt  }
0x3f: {  	_ =	shalt  }
0x40: {  	_ =	shalt  }
0x41: {  	_ =	shalt  }
0x42: {  	_ =	shalt  }
0x43: {  	_ =	shalt  }
0x44: {  	_ =	shalt  }
0x45: {  	_ =	shalt  }
0x46: {  	_ =	shalt  }
0x47: {  	_ =	shalt  }
0x48: {  	_ =	shalt  }
0x49: {  	_ =	shalt  }
0x4a: {  	_ =	shalt  }
0x4b: {  	_ =	shalt  }
0x4c: {  	_ =	shalt  }
0x4d: {  	_ =	shalt  }
0x4e: {  	_ =	shalt  }
0x4f: {  	_ =	shalt  }
0x50: {  	_ =	shalt  }
0x51: {  	_ =	shalt  }
0x52: {  	_ =	shalt  }
0x53: {  	_ =	shalt  }
0x54: {  	_ =	shalt  }
0x55: {  	_ =	shalt  }
0x56: {  	_ =	shalt  }
0x57: {  	_ =	shalt  }
0x58: {  	_ =	shalt  }
0x59: {  	_ =	shalt  }
0x5a: {  	_ =	shalt  }
0x5b: {  	_ =	shalt  }
0x5c: {  	_ =	shalt  }
0x5d: {  	_ =	shalt  }
0x5e: {  	_ =	shalt  }
0x5f: {  	_ =	shalt  }
0x60: {  	_ =	shalt  }
0x61: {  	_ =	shalt  }
0x62: {  	_ =	shalt  }
0x63: {  	_ =	shalt  }
0x64: {  	_ =	shalt  }
0x65: {  	_ =	shalt  }
0x66: {  	_ =	shalt  }
0x67: {  	_ =	shalt  }
0x68: {  	_ =	shalt  }
0x69: {  	_ =	shalt  }
0x6a: {  	_ =	shalt  }
0x6b: {  	_ =	shalt  }
0x6c: {  	_ =	shalt  }
0x6d: {  	_ =	shalt  }
0x6e: {  	_ =	shalt  }
0x6f: {  	_ =	shalt  }
0x70: {  	_ =	shalt  }
0x71: {  	_ =	shalt  }
0x72: {  	_ =	shalt  }
0x73: {  	_ =	shalt  }
0x74: {  	_ =	shalt  }
0x75: {  	_ =	shalt  }
0x76: {  	_ =	shalt  }
0x77: {  	_ =	shalt  }
0x78: {  	_ =	shalt  }
0x79: {  	_ =	shalt  }
0x7a: {  	_ =	shalt  }
0x7b: {  	_ =	shalt  }
0x7c: {  	_ =	shalt  }
0x7d: {  	_ =	shalt  }
0x7e: {  	_ =	shalt  }
0x7f: {  	_ =	shalt  }
0x80: {  	_ =	shalt  }
0x81: {  	_ =	shalt  }
0x82: {  	_ =	shalt  }
0x83: {  	_ =	shalt  }
0x84: {  	_ =	shalt  }
0x85: {  	_ =	shalt  }
0x86: {  	_ =	shalt  }
0x87: {  	_ =	shalt  }
.Lfunc_end0:
.L_simem_size_0:
called_computation_lowered:
.L_overlay_start_0:
0x88: {  	s2 =	sld [smem:$0x3FD9]  }
0x89: {  	s3 =	sld [smem:$0x3FFE];
	_ =	sdelay $0x1  }
0x8a: {  	s1 =	srdreg.scid  }
0x8b: {  	s0 =	sand.u32 $0x1, s1  }
0x8c: {  	s16 =	sshll.u32 s0, $0xA;
	s2 =	sadd.s32 s3, s2  }
0x8d: {  	s2 =	sadd.s32 s2, s16  }
0x8e: {  	[smem:$0x3FBF] =	sst s2  }
0x8f: {  	_ = 	snop  }
0x90: {  	(tm) =	ssettm $0x1  }
0x91: {  	s17 =	sld [smem:$0x3FFB];
	_ =	sdelay $0x3  }
0x92: {  	_ =	strace s17  }
0x93: {  	s2 =	sld [smem:$0x3FFC];
	_ =	sdelay $0x3  }
0x94: {  	_ =	strace s2  }
0x95: {  	s2 =	sld [smem:$0x3FFD];
	_ =	sdelay $0x3  }
0x96: {  	_ =	strace s2  }
0x97: {  	_ =	strace $0x8FFFFFFF  }
0x98: {  	s18 =	sld [smem:$0x3FDB];
	_ =	sdelay $0x1  }
0x99: {  	s19 =	simm.s32 $_scs_section_size  }
0x9a: {  	s4 =	simm.s32 $_size__tile_overlayer_lowered;
	s5 =	simm.s32 $_tile_overlayer_lowered  }
0x9b: {  	s22 =	simm.s32 $0x1BFF;
	s21 =	sshll.u32 s5, $0x1;
	s2 =	sadd.s32 s19, s18  }
0x9c: {  	s6 =	simm.s32 $0x0;
	s20 =	sshll.u32 s4, $0x1;
	s4 =	sadd.s32 s21, s2  }
0x9d: {  	[timem:s6], [sflag:s22] =	dma.local [hbm:s4], s20  }
0x9e: {  	_ =	swait.ge [sflag:s22], s20  }
0x9f: {  	s3 =	ssub.s32 $0x0, s20;
	[sflag:s22] =	ssyncset.done $0x0  }
0xa0: {  	[sflag:s22] =	ssyncadd.s32 s3;
	_ =	sdelay $0x1  }
0xa1: {  	s23 =	simm.s32 $0x1B8B  }
0xa2: {  	_ =	swait.ge [sflag:s23], $0x1  }
0xa3: {  	[sflag:s23] =	ssyncset.done $0x0  }
0xa4: {  	s25 =	simm.s32 $0x1B8E;
	s24 =	sld [smem:$0x3FFE];
	[sflag:s23] =	ssyncadd.s32 $0xFFFFFFFF  }
0xa5: {  	s26 =	simm.s32 $execute0_lowered;
	[smem:$0x3FD2] =	sst s25  }
0xa6: {  	s4 =	sshll.u32 s26, $0x1;
	_ =	strace $0x80000046;
	[dreg:$0x1] =	wrdreg $0xFFFFFFFF  }
0xa7: {  	s28 =	simm.s32 $_size_execute0_lowered;
	s2 =	sadd.s32 s2, s4;
	[dreg:$0x0] =	wrdreg $0x0  }
0xa8: {  	s4 =	sshll.u32 s28, $0x1;
	[dreg:$0x2] =	wrdreg s2  }
0xa9: {  	[dreg:$0x3] =	wrdreg s4  }
0xaa: {  	[dreg:$0x4] =	wrdreg $0xC0  }
0xab: {  	_ =	task [dreg:s6], $0x5FFFF  }
0xac: {  	[dreg:$0x1] =	wrdreg $0xFFFFFFFF  }
0xad: {  	[dreg:$0x0] =	wrdreg $0x60  }
0xae: {  	[dreg:$0x2] =	wrdreg s24  }
0xaf: {  	[dreg:$0x3] =	wrdreg $0x9  }
0xb0: {  	_ =	task.clear_ibuf [dreg:s6], $0x4FFFF;
	_ =	strace $0x90000046  }
0xb1: {  	s29 =	simm.s32 $0x9;
	_ =	strace $0x80000048  }
0xb2: {  	_ =	swait.ge [sflag:s29], $0x1  }
0xb3: {  	[sflag:s29] =	ssyncadd.s32 $0xFFFFFFFF  }
0xb4: {  	_ =	strace $0x90000048  }
0xb5: {  	_ =	sfence  }
0xb6: {  	s30 =	sld [smem:$0x0];
	_ =	sdelay $0x2  }
0xb7: {  	s31 =	sshll.u32 s1, $0xD;
	s1 =	sshrl.u32 s1, $0x2  }
0xb8: {  	s3 =	sand.u32 $0x4000, s31;
	s1 =	sadd.s32 s1, s30  }
0xb9: {  	s0 =	sor.u32 s3, s0;
	s1 =	sshll.u32 s1, $0x11  }
0xba: {  	s0 =	sor.u32 s1, s0  }
0xbb: {  	s0 =	sadd.s32 $0x8F2B, s0  }
0xbc: {  	[sflag:s0] =	ssyncadd.remote.s32 $0x1  }
0xbd: {  	_ =	sfence.sel $0xFFFF  }
0xbe: {  	[dreg:$0x0] =	wrdreg $0xFFFFFFFF;
	(pc) =	sbr.abs _section_cstart, $3  }
0xbf: {  	[dreg:$0x1] =	wrdreg $0xFFFFFFFF  }
0xc0: {  	_ =	task.clear_ibuf [dreg:s6], $0x2FFFF;
	_ =	strace $0x9FFFFFFF  }
0xc1: {  	(tm) =	ssettm $0x7FFFFFFF  }
tec
execute0_lowered:
.L_overlay_start_1:
0x0: {  	(tag) =	ssettag $0x1  }
0x1: {  	s1 =	srdreg.scid;
	s0 =	stileid.u32  }
0x2: {  	s4 =	rddreg [dreg:$0x0];
	s2 =	simm.s32 $0x0;
	s11 =	simm.s32 $0x2  }
0x3: {  	s12 =	simm.s32 $0x3400;
	s13 =	simm.s32 $0x6800;
	s14 =	simm.s32 $0x200  }
0x4: {  	s15 =	simm.s32 $0x6C00;
	s16 =	simm.s32 $0x1;
	s17 =	simm.s32 $0x80  }
0x5: {  	s18 =	simm.s32 $0x7C00;
	s19 =	simm.s32 $0x8C00;
	s20 =	simm.s32 $0x9C00  }
0x6: {  	s21 =	simm.s32 $0x6880;
	s22 =	simm.s32 $0x6900;
	s23 =	simm.s32 $0x6980  }
0x7: {  	s24 =	simm.s32 $0x6A00;
	s25 =	simm.s32 $0x6A80;
	s26 =	simm.s32 $0x6B00  }
0x8: {  	s28 =	simm.s32 $0x6B80;
	s5 =	sand.u32 $0x1, s1;
	s3 =	sshll.u32 s0, $0x1  }
0x9: {  	s29 =	simm.s32 $0x0;
	[smem:$0x7FF] =	sst s2;
	s6 =	sor.u32 s5, s3  }
0xa: {  	_ =	strace $0x80000047;
	s3 =	sadd.s32 $0x1800, s4;
	s7 =	smul.u32 $0x680, s6  }
0xb: {  	s31 =	ssub.s32 $0x2, s5;
	s8 =	sshll.u32 s6, $0x7;
	s6 =	sshll.u32 s6, $0xC  }
0xc: {  	s9 =	sshrl.u32 s31, $0x1;
	s8 =	sadd.s32 s8, s4;
	s7 =	sadd.s32 s7, s4  }
0xd: {  	s10 =	sadd.s32 s6, s4;
	s4 =	sadd.s32 $0xA30800, s4;
	s5 =	sadd.s32 $0xA15800, s7  }
0xe: {  	s9 =	ssub.s32 s31, s9;
	s6 =	sadd.s32 $0xA23800, s7;
	s7 =	sadd.s32 $0xA22800, s8  }
0xf: {  	s9 =	smax.u32 s9, $0x1;
	s8 =	sadd.s32 $0x9F5800, s10;
	s10 =	sadd.s32 $0x9F6000, s10  }
.LBB2_1:
0x10: {  	[tilespmem:s2], [sflag:$0x2] =	stream.linear.gather [hbm4b:s5+s2], $0x3400, $0x38;
	[tilespmem:$0xAC00] =	vst v63  }
0x11: {  	_ =	swait.ge [sflag:s11], $0x3400  }
0x12: {  	[sflag:s11] =	ssyncset.done $0x0  }
0x13: {  	[sflag:s11] =	ssyncadd.s32 $0xFFFFCC00  }
0x14: {  	[tilespmem:s12], [sflag:$0x2] =	stream.linear.gather [hbm4b:s6+s2], $0x3400, $0x38;
	[tilespmem:$0xAC00] =	vst v63  }
0x15: {  	_ =	swait.ge [sflag:s11], $0x3400  }
0x16: {  	[sflag:s11] =	ssyncset.done $0x0  }
0x17: {  	[sflag:s11] =	ssyncadd.s32 $0xFFFFCC00  }
0x18: {  	[tilespmem:s13], [sflag:$0x2] =	stream.linear.gather [hbm4b:s7+s2], $0x400, $0x38;
	[tilespmem:$0xAC00] =	vst v63  }
0x19: {  	_ =	swait.ge [sflag:s11], $0x400  }
0x1a: {  	[sflag:s11] =	ssyncset.done $0x0  }
0x1b: {  	s30 =	simm.s32 $0x0;
	[sflag:s11] =	ssyncadd.s32 $0xFFFFFC00  }
0x1c: {  	[tilespmem:s15], [sflag:$0x1] =	stream.indirect.gather [hbm4b:s3+s14], $0x20, s30, s14, $0xb8;
	[tilespmem:$0xAC00] =	vst v63  }
0x1d: {  	_ =	swait.ge [sflag:s16], $0x4000  }
0x1e: {  	[sflag:s16] =	ssyncset.done $0x0  }
0x1f: {  	s30 =	simm.s32 $0x3400;
	[sflag:s16] =	ssyncadd.s32 $0xFFFFC000  }
0x20: {  	[hbm4b:s4+s17] =	stream.indirect.scatter [tilespmem:s15], [sflag:$0x1], $0x20, s30, s17, $0xb8;
	[tilespmem:$0xAC00] =	vst v63  }
0x21: {  	_ =	swait.ge [sflag:s16], $0x1000  }
0x22: {  	[sflag:s16] =	ssyncset.done $0x0  }
0x23: {  	s30 =	simm.s32 $0x3480;
	[sflag:s16] =	ssyncadd.s32 $0xFFFFF000  }
0x24: {  	[hbm4b:s4+s17] =	stream.indirect.scatter [tilespmem:s18], [sflag:$0x1], $0x20, s30, s17, $0xb8;
	[tilespmem:$0xAC00] =	vst v63  }
0x25: {  	_ =	swait.ge [sflag:s16], $0x1000  }
0x26: {  	[sflag:s16] =	ssyncset.done $0x0  }
0x27: {  	s30 =	simm.s32 $0x3500;
	[sflag:s16] =	ssyncadd.s32 $0xFFFFF000  }
0x28: {  	[hbm4b:s4+s17] =	stream.indirect.scatter [tilespmem:s19], [sflag:$0x1], $0x20, s30, s17, $0xb8;
	[tilespmem:$0xAC00] =	vst v63  }
0x29: {  	_ =	swait.ge [sflag:s16], $0x1000  }
0x2a: {  	[sflag:s16] =	ssyncset.done $0x0  }
0x2b: {  	s30 =	simm.s32 $0x3580;
	[sflag:s16] =	ssyncadd.s32 $0xFFFFF000  }
0x2c: {  	[hbm4b:s4+s17] =	stream.indirect.scatter [tilespmem:s20], [sflag:$0x1], $0x20, s30, s17, $0xb8;
	[tilespmem:$0xAC00] =	vst v63  }
0x2d: {  	_ =	swait.ge [sflag:s16], $0x1000  }
0x2e: {  	s31 =	simm.s32 $0x1000;
	s30 =	simm.s32 $0x800;
	[sflag:s16] =	ssyncset.done $0x0  }
.LBB2_2:
0x2f: {  	s1 =	sshra.s32 s30, $0x2  }
0x30: {  	[sflag:s16] =	ssyncadd.s32 $0xFFFFF000;
	s30 =	smov.u32 s31;
	s0 =	sadd.s32 $0x800, s31  }
0x31: {  	[tilespmem:s15], [sflag:$0x1] =	stream.indirect.gather [hbm4b:s3+s14], $0x20, s1, s14, $0xb8;
	[tilespmem:$0xAC00] =	vst v63  }
0x32: {  	p0 =	sne.s32 s31, $0xC800;
	_ =	swait.ge [sflag:s16], $0x4000  }
0x33: {  	[sflag:s16] =	ssyncset.done $0x0  }
0x34: {  	s31 =	sadd.s32 $0x3400, s1;
	[sflag:s16] =	ssyncadd.s32 $0xFFFFC000  }
0x35: {  	[hbm4b:s4+s17] =	stream.indirect.scatter [tilespmem:s15], [sflag:$0x1], $0x20, s31, s17, $0xb8;
	[tilespmem:$0xAC00] =	vst v63  }
0x36: {  	_ =	swait.ge [sflag:s16], $0x1000  }
0x37: {  	[sflag:s16] =	ssyncset.done $0x0  }
0x38: {  	s31 =	sadd.s32 $0x3480, s1;
	[sflag:s16] =	ssyncadd.s32 $0xFFFFF000  }
0x39: {  	[hbm4b:s4+s17] =	stream.indirect.scatter [tilespmem:s18], [sflag:$0x1], $0x20, s31, s17, $0xb8;
	[tilespmem:$0xAC00] =	vst v63  }
0x3a: {  	_ =	swait.ge [sflag:s16], $0x1000  }
0x3b: {  	[sflag:s16] =	ssyncset.done $0x0  }
0x3c: {  	s31 =	sadd.s32 $0x3500, s1;
	[sflag:s16] =	ssyncadd.s32 $0xFFFFF000  }
0x3d: {  	[hbm4b:s4+s17] =	stream.indirect.scatter [tilespmem:s19], [sflag:$0x1], $0x20, s31, s17, $0xb8;
	[tilespmem:$0xAC00] =	vst v63  }
0x3e: {  	_ =	swait.ge [sflag:s16], $0x1000  }
.Ltmp0:
0x3f: {  	[sflag:s16] =	ssyncset.done $0x0;
	(pc) =	sbr.rel @p0 .LBB2_2-.Ltmp0, $4  }
0x40: {  	s1 =	sadd.s32 $0x3580, s1;
	[sflag:s16] =	ssyncadd.s32 $0xFFFFF000  }
0x41: {  	[hbm4b:s4+s17] =	stream.indirect.scatter [tilespmem:s20], [sflag:$0x1], $0x20, s1, s17, $0xb8;
	[tilespmem:$0xAC00] =	vst v63  }
0x42: {  	_ =	swait.ge [sflag:s16], $0x1000  }
0x43: {  	s31 =	smov.u32 s0;
	[sflag:s16] =	ssyncset.done $0x0  }
0x44: {  	s0 =	sshra.s32 s30, $0x2;
	[sflag:s16] =	ssyncadd.s32 $0xFFFFF000  }
0x45: {  	[tilespmem:s15], [sflag:$0x1] =	stream.indirect.gather [hbm4b:s3+s14], $0x20, s0, s14, $0xb8;
	[tilespmem:$0xAC00] =	vst v63  }
0x46: {  	_ =	swait.ge [sflag:s16], $0x4000  }
0x47: {  	[sflag:s16] =	ssyncset.done $0x0  }
0x48: {  	s1 =	sadd.s32 $0x3400, s0;
	[sflag:s16] =	ssyncadd.s32 $0xFFFFC000  }
0x49: {  	[hbm4b:s4+s17] =	stream.indirect.scatter [tilespmem:s15], [sflag:$0x1], $0x20, s1, s17, $0xb8;
	[tilespmem:$0xAC00] =	vst v63  }
0x4a: {  	_ =	swait.ge [sflag:s16], $0x1000  }
0x4b: {  	[sflag:s16] =	ssyncset.done $0x0  }
0x4c: {  	s30 =	sadd.s32 $0x3480, s0;
	[sflag:s16] =	ssyncadd.s32 $0xFFFFF000  }
0x4d: {  	[hbm4b:s4+s17] =	stream.indirect.scatter [tilespmem:s18], [sflag:$0x1], $0x20, s30, s17, $0xb8;
	[tilespmem:$0xAC00] =	vst v63  }
0x4e: {  	_ =	swait.ge [sflag:s16], $0x1000  }
0x4f: {  	[sflag:s16] =	ssyncset.done $0x0  }
0x50: {  	s31 =	sadd.s32 $0x3500, s0;
	[sflag:s16] =	ssyncadd.s32 $0xFFFFF000  }
0x51: {  	[hbm4b:s4+s17] =	stream.indirect.scatter [tilespmem:s19], [sflag:$0x1], $0x20, s31, s17, $0xb8;
	[tilespmem:$0xAC00] =	vst v63  }
0x52: {  	_ =	swait.ge [sflag:s16], $0x1000  }
0x53: {  	[sflag:s16] =	ssyncset.done $0x0  }
0x54: {  	s0 =	sadd.s32 $0x3580, s0;
	[sflag:s16] =	ssyncadd.s32 $0xFFFFF000  }
0x55: {  	[hbm4b:s4+s17] =	stream.indirect.scatter [tilespmem:s20], [sflag:$0x1], $0x20, s0, s17, $0xb8;
	[tilespmem:$0xAC00] =	vst v63  }
0x56: {  	_ =	swait.ge [sflag:s16], $0x1000  }
0x57: {  	[sflag:s16] =	ssyncset.done $0x0  }
0x58: {  	[sflag:s16] =	ssyncadd.s32 $0xFFFFF000  }
0x59: {  	[tilespmem:s15], [sflag:$0x2] =	stream.linear.gather [hbm4b:s8+s2], $0x4000, $0x38;
	[tilespmem:$0xAC00] =	vst v63  }
0x5a: {  	_ =	swait.ge [sflag:s11], $0x4000  }
0x5b: {  	[sflag:s11] =	ssyncset.done $0x0  }
0x5c: {  	[sflag:s11] =	ssyncadd.s32 $0xFFFFC000  }
0x5d: {  	[hbm4b:s4+s17] =	stream.indirect.scatter [tilespmem:s15], [sflag:$0x1], $0x20, s13, s17, $0xb8;
	[tilespmem:$0xAC00] =	vst v63  }
0x5e: {  	_ =	swait.ge [sflag:s16], $0x1000  }
0x5f: {  	[sflag:s16] =	ssyncset.done $0x0  }
0x60: {  	[sflag:s16] =	ssyncadd.s32 $0xFFFFF000  }
0x61: {  	[hbm4b:s4+s17] =	stream.indirect.scatter [tilespmem:s18], [sflag:$0x1], $0x20, s21, s17, $0xb8;
	[tilespmem:$0xAC00] =	vst v63  }
0x62: {  	_ =	swait.ge [sflag:s16], $0x1000  }
0x63: {  	[sflag:s16] =	ssyncset.done $0x0  }
0x64: {  	[sflag:s16] =	ssyncadd.s32 $0xFFFFF000  }
0x65: {  	[hbm4b:s4+s17] =	stream.indirect.scatter [tilespmem:s19], [sflag:$0x1], $0x20, s22, s17, $0xb8;
	[tilespmem:$0xAC00] =	vst v63  }
0x66: {  	_ =	swait.ge [sflag:s16], $0x1000  }
0x67: {  	[sflag:s16] =	ssyncset.done $0x0  }
0x68: {  	[sflag:s16] =	ssyncadd.s32 $0xFFFFF000  }
0x69: {  	[hbm4b:s4+s17] =	stream.indirect.scatter [tilespmem:s20], [sflag:$0x1], $0x20, s23, s17, $0xb8;
	[tilespmem:$0xAC00] =	vst v63  }
0x6a: {  	_ =	swait.ge [sflag:s16], $0x1000  }
0x6b: {  	[sflag:s16] =	ssyncset.done $0x0  }
0x6c: {  	[sflag:s16] =	ssyncadd.s32 $0xFFFFF000  }
0x6d: {  	[tilespmem:s15], [sflag:$0x2] =	stream.linear.gather [hbm4b:s10+s2], $0x4000, $0x38;
	[tilespmem:$0xAC00] =	vst v63  }
0x6e: {  	_ =	swait.ge [sflag:s11], $0x4000  }
0x6f: {  	[sflag:s11] =	ssyncset.done $0x0  }
0x70: {  	[sflag:s11] =	ssyncadd.s32 $0xFFFFC000  }
0x71: {  	[hbm4b:s4+s17] =	stream.indirect.scatter [tilespmem:s15], [sflag:$0x1], $0x20, s24, s17, $0xb8;
	[tilespmem:$0xAC00] =	vst v63  }
0x72: {  	_ =	swait.ge [sflag:s16], $0x1000  }
0x73: {  	[sflag:s16] =	ssyncset.done $0x0  }
0x74: {  	[sflag:s16] =	ssyncadd.s32 $0xFFFFF000  }
0x75: {  	[hbm4b:s4+s17] =	stream.indirect.scatter [tilespmem:s18], [sflag:$0x1], $0x20, s25, s17, $0xb8;
	[tilespmem:$0xAC00] =	vst v63  }
0x76: {  	_ =	swait.ge [sflag:s16], $0x1000  }
0x77: {  	[sflag:s16] =	ssyncset.done $0x0  }
0x78: {  	[sflag:s16] =	ssyncadd.s32 $0xFFFFF000  }
0x79: {  	[hbm4b:s4+s17] =	stream.indirect.scatter [tilespmem:s19], [sflag:$0x1], $0x20, s26, s17, $0xb8;
	[tilespmem:$0xAC00] =	vst v63  }
0x7a: {  	s29 =	sadd.s32 $0x1, s29;
	_ =	swait.ge [sflag:s16], $0x1000  }
0x7b: {  	p0 =	sne.s32 s29, s9;
	[sflag:s16] =	ssyncset.done $0x0  }
.Ltmp1:
0x7c: {  	[sflag:s16] =	ssyncadd.s32 $0xFFFFF000;
	(pc) =	sbr.rel @p0 .LBB2_1-.Ltmp1, $4  }
0x7d: {  	[hbm4b:s4+s17] =	stream.indirect.scatter [tilespmem:s20], [sflag:$0x1], $0x20, s28, s17, $0xb8;
	[tilespmem:$0xAC00] =	vst v63  }
0x7e: {  	_ =	swait.ge [sflag:s16], $0x1000  }
0x7f: {  	[sflag:s16] =	ssyncset.done $0x0  }
0x80: {  	[sflag:s16] =	ssyncadd.s32 $0xFFFFF000  }
0x81: {  	_ =	sfence.sel $0x180000  }
0x82: {  	[bflag:$0x0] =	sbarrier.arrive $0xFFFF  }
0x83: {  	_ =	strace $0x90000047  }
0x84: {  	s0 =	stileid.u32;
	[bflag:$0x2] =	sbarrier.arrive $0xFFFF  }
0x85: {  	p0 =	sne.s32 s0, $0x0;
	s0 =	rddreg [dreg:$0x1]  }
0x86: {  	s0 =	sadd.s32 @!p0 $0x100000, s0  }
0x87: {  	[sflag:s0] =	ssyncadd.tile.s32 @!p0 $0x1;
	_ =	shalt  }
.Lfunc_end2:
_tile_overlayer_lowered:
.L_overlay_start_2:
0x88: {  	(tag) =	ssettag $0x2  }
0x89: {  	s0 =	rddreg [dreg:$0x0];
	s2 =	stileid.u32  }
0x8a: {  	s1 =	rddreg [dreg:$0x1];
	p0 =	sne.s32 s2, $0x0  }
0x8b: {  	s3 =	rddreg [dreg:$0x2];
	[bflag:$0x3] =	sbarrier.arrive $0xFFFF;
	s2 =	simm.s32 @!p0 $0x1C02  }
0x8c: {  	[timem:s3], [sflag:s2] =	dma.local @!p0 [hbm:s0], s1  }
0x8d: {  	s0 =	simm.s32 @!p0 $0x2  }
0x8e: {  	_ =	swait.ge @!p0 [sflag:s0], s1  }
0x8f: {  	s1 =	ssub.s32 @!p0 $0x0, s1;
	[sflag:s0] =	ssyncset.done @!p0 $0x0  }
0x90: {  	[sflag:s0] =	ssyncadd.s32 @!p0 s1  }
0x91: {  	[bflag:$0x3] =	sbarrier.arrive $0xFFFF  }
0x92: {  	_ =	shalt  }

</sc_bundles>
